<compile_context>
chip_gen: v7x
topology: tpu7x:2x2x1
jax: 0.10.2.dev20260603
libtpu: 0.0.44.dev20260713+nightly
codegen_flags: <defaults>
</compile_context>

<pallas_src>
import dataclasses
import functools

import jax
import jax.numpy as jnp
from jax import lax
from jax.experimental import pallas as pl
from jax.experimental.pallas import tpu as pltpu
from jax.experimental.pallas import tpu_sc as plsc

_N = 10000
_ROWW = 85
_NSUB = 16
_LANES = 16
_CHUNK = 640
_GROUPS = _CHUNK // _LANES
_CHUNKW = _CHUNK * _ROWW


def _sc_reduce(flat):
    mesh = plsc.VectorSubcoreMesh(core_axis_name="c", subcore_axis_name="s")
    cp = pltpu.CompilerParams()
    if "needs_layout_passes" in pltpu.CompilerParams.__dataclass_fields__:
        cp = dataclasses.replace(cp, needs_layout_passes=False)

    @functools.partial(
        pl.kernel,
        out_type=jax.ShapeDtypeStruct((_LANES,), jnp.float32),
        mesh=mesh,
        compiler_params=cp,
        scratch_types=[
            pltpu.VMEM((_CHUNKW,), jnp.float32),
            pltpu.VMEM((_LANES,), jnp.float32),
            pltpu.VMEM((_NSUB * _LANES,), jnp.float32),
            pltpu.VMEM_SHARED((_NSUB * _LANES,), jnp.float32),
        ],
    )
    def k(data_hbm, out_hbm, chunk_v, stage_v, all_v, shared):
        cid = lax.axis_index("c")
        sid = lax.axis_index("s")
        iota = lax.iota(jnp.int32, _LANES)
        i85 = iota * _ROWW

        start_row = sid * _CHUNK
        nrows = jnp.clip(_N - start_row, 0, _CHUNK)

        pltpu.sync_copy(data_hbm.at[pl.ds(start_row * _ROWW, _CHUNKW)],
                        chunk_v)

        zero_f = jnp.zeros((_LANES,), jnp.float32)
        zero_i = jnp.zeros((_LANES,), jnp.int32)

        def grp(g, carry):
            vacc, bb = carry
            idx0 = i85 + g * (_LANES * _ROWW)
            c0 = plsc.load_gather(chunk_v, [idx0])
            c1 = plsc.load_gather(chunk_v, [idx0 + 1])
            c2 = plsc.load_gather(chunk_v, [idx0 + 2])
            c3 = plsc.load_gather(chunk_v, [idx0 + 3])
            c4 = plsc.load_gather(chunk_v, [idx0 + 4])
            s5 = (c0 + c1) + (c2 + c3) + c4
            validb = (g * _LANES + iota) < nrows
            badb = jnp.logical_and(c4 < 0.0, validb)
            bad_i = jnp.where(badb, 1, 0).astype(jnp.int32)
            cs = plsc.cumsum(bad_i)
            keepb = jnp.logical_and(validb, (cs + bb) == 0)
            keep_f = jnp.where(keepb, 1.0, 0.0).astype(jnp.float32)
            cnt = plsc.all_reduce_population_count(badb)
            return (vacc + s5 * keep_f, bb + cnt)

        vacc, bb = lax.fori_loop(0, _GROUPS, grp, (zero_f, zero_i))

        s_w = jnp.sum(vacc)
        a_f = jnp.where(bb == 0, 1.0, 0.0).astype(jnp.float32)
        s_splat = jnp.full((_LANES,), s_w, jnp.float32)
        stage_v[...] = jnp.where(iota == 0, s_splat,
                                 jnp.where(iota == 1, a_f, zero_f))
        pltpu.sync_copy(stage_v, shared.at[pl.ds(sid * _LANES, _LANES)])
        plsc.subcore_barrier()

        @pl.when(jnp.logical_and(cid == 0, sid == 0))
        def _():
            pltpu.sync_copy(shared, all_v)
            svec = plsc.load_gather(all_v, [iota * _LANES])
            avec = plsc.load_gather(all_v, [iota * _LANES + 1])
            badw = jnp.where(avec < 0.5, 1, 0).astype(jnp.int32)
            excl = plsc.cumsum(badw) - badw
            keepw = jnp.where(excl == 0, 1.0, 0.0).astype(jnp.float32)
            tot = jnp.sum(svec * keepw)
            stage_v[...] = jnp.full((_LANES,), tot, jnp.float32)
            pltpu.sync_copy(stage_v, out_hbm)

    return k(flat)


def kernel(data):
    flat = data.reshape(-1)
    out = _sc_reduce(flat)
    return out[0]

# --- scband reference (transcript-rebuilt; emitter-appended) ---
"""Pipeline reference for scband-yolo-target-35381940584553 (READ-ONLY COPY).

The authoritative reference and input builder live on the scoring server;
editing this copy changes nothing except your own understanding.
"""

import jax, jax.numpy as jnp
import numpy as np

OUTPUT_TYPE = "all"
CONF = 0.0
RATIO = 0.5

def setup_inputs(seed: int = 0) -> dict:
    key = jax.random.key(seed)
    data = jax.random.uniform(key, (1, 20000, 85), dtype=jnp.float32)
    return {"data": data}

def reference(data):
    # Faithful translation of the torch loop:
    #   iterate i in [0, N*ratio); break at first conf[i] < CONF;
    #   for kept prefix, accumulate conf score and/or 4 box coords, then sum.
    n = int(data.shape[1] * RATIO)
    conf = data[0, :n, 4]
    # keep[i] = 1 iff all j <= i satisfy conf[j] >= CONF (break semantics)
    keep = jnp.cumprod((conf >= CONF).astype(data.dtype))
    per = jnp.zeros_like(conf)
    if OUTPUT_TYPE in ("class", "all"):
        per = per + conf
    if OUTPUT_TYPE in ("box", "all"):
        per = per + jnp.sum(data[0, :n, :4], axis=1)
    # if nothing is kept, torch returns tensor(0.0); sum of empty mask is already 0.0
    total = jnp.sum(per * keep)
    return total

if __name__ == "__main__":
    import jax
    _d = setup_inputs()
    print(jax.jit(kernel)(*tuple(_d.values())))

</pallas_src>

<mosaic_0001>
#map = affine_map<(d0, d1) -> (0)>
module attributes {stable_mosaic.version = 14 : i64} {
  func.func @k(%arg0: i32, %arg1: i32, %arg2: memref<1700000xf32, #tpu.memory_space<hbm>>, %arg3: memref<16xf32, #tpu.memory_space<hbm>>, %arg4: memref<54400xf32, #tpu.memory_space<vmem>>, %arg5: memref<16xf32, #tpu.memory_space<vmem>>, %arg6: memref<256xf32, #tpu.memory_space<vmem>>, %arg7: memref<256xf32, #tpu.memory_space<vmem_shared>>) attributes {dimension_semantics = [#tpu.dimension_semantics<core_parallel>, #tpu.dimension_semantics<subcore_parallel>], iteration_bounds = array<i64: 2, 16>, scalar_prefetch = 0 : i64, scratch_operands = 4 : i64, tpu.core_type = #tpu.core_type<sc_vector_subcore>, window_params = [{transform_indices = #map}, {transform_indices = #map}]} {
    %iota3A = tpu.iota {dimensions = array<i32: 0>} : vector<16xi32>
    %mul3A = arith.constant 85 : i32
    %mul3A_0 = vector.broadcast %mul3A : i32 to vector<16xi32>
    %mul3A_1 = arith.muli %iota3A, %mul3A_0 : vector<16xi32>
    %mul3A_2 = arith.constant 640 : i32
    %mul3A_3 = arith.muli %arg1, %mul3A_2 : i32
    %sub3A = arith.constant 10000 : i32
    %sub3A_4 = arith.subi %sub3A, %mul3A_3 : i32
    %jit3A = arith.constant 0 : i32
    %jit3A_5 = arith.constant 640 : i32
    %max3A = arith.maxsi %jit3A, %sub3A_4 : i32
    %min3A = arith.minsi %jit3A_5, %max3A : i32
    %mul3A_6 = arith.constant 85 : i32
    %mul3A_7 = arith.muli %mul3A_3, %mul3A_6 : i32
    "tpu.region"() ({
      %run_scoped3A = tpu.sem_alloc : memref<!tpu.dma_semaphore, #tpu.memory_space<semaphore_mem>>
      %dma_start3A = tpu.memref_slice %arg2[%mul3A_7] : memref<1700000xf32, #tpu.memory_space<hbm>> -> memref<54400xf32, #tpu.memory_space<hbm>>
      %dma_start3A_42 = tpu.memref_slice %arg2[%mul3A_7] : memref<1700000xf32, #tpu.memory_space<hbm>> -> memref<54400xf32, #tpu.memory_space<hbm>>
      tpu.enqueue_dma source(%dma_start3A_42 : memref<54400xf32, #tpu.memory_space<hbm>>) target(%arg4 : memref<54400xf32, #tpu.memory_space<vmem>>) target_semaphore(%run_scoped3A : memref<!tpu.dma_semaphore, #tpu.memory_space<semaphore_mem>>)
      %dma_wait3A = tpu.memref_slice %arg2[%mul3A_7] : memref<1700000xf32, #tpu.memory_space<hbm>> -> memref<54400xf32, #tpu.memory_space<hbm>>
      %dma_wait3A_43 = tpu.memref_slice %arg2[%mul3A_7] : memref<1700000xf32, #tpu.memory_space<hbm>> -> memref<54400xf32, #tpu.memory_space<hbm>>
      tpu.wait_dma2 semaphore(%run_scoped3A : memref<!tpu.dma_semaphore, #tpu.memory_space<semaphore_mem>>) src(%dma_wait3A_43 : memref<54400xf32, #tpu.memory_space<hbm>>) dst(%arg4 : memref<54400xf32, #tpu.memory_space<vmem>>)
      tpu.yield
    }) : () -> ()
    %broadcast_in_dim3A = arith.constant 0.000000e+00 : f32
    %broadcast_in_dim3A_8 = vector.broadcast %broadcast_in_dim3A : f32 to vector<16xf32>
    %broadcast_in_dim3A_9 = arith.constant 0 : i32
    %broadcast_in_dim3A_10 = vector.broadcast %broadcast_in_dim3A_9 : i32 to vector<16xi32>
    %scan3A = arith.constant 0 : i32
    %scan3A_11 = arith.constant 40 : i32
    %scan3A_12 = arith.addi %scan3A, %scan3A_11 : i32
    %scan3A_13 = arith.constant 1 : i32
    %scan3A_14:2 = scf.for %scan3A_42 = %scan3A to %scan3A_12 step %scan3A_13 iter_args(%scan3A_43 = %broadcast_in_dim3A_8, %scan3A_44 = %broadcast_in_dim3A_10) -> (vector<16xf32>, vector<16xi32>)  : i32 {
      %mul3A_45 = arith.constant 1360 : i32
      %mul3A_46 = arith.muli %scan3A_42, %mul3A_45 : i32
      %add3A = vector.broadcast %mul3A_46 : i32 to vector<16xi32>
      %add3A_47 = arith.addi %mul3A_1, %add3A : vector<16xi32>
      %gather3A = tpu.vector_load_idx %arg4[%add3A_47] : memref<54400xf32, #tpu.memory_space<vmem>>[vector<16xi32>], vector<16xf32>,
      %add3A_48 = arith.constant 1 : i32
      %add3A_49 = vector.broadcast %add3A_48 : i32 to vector<16xi32>
      %add3A_50 = arith.addi %add3A_47, %add3A_49 : vector<16xi32>
      %gather3A_51 = tpu.vector_load_idx %arg4[%add3A_50] : memref<54400xf32, #tpu.memory_space<vmem>>[vector<16xi32>], vector<16xf32>,
      %add3A_52 = arith.constant 2 : i32
      %add3A_53 = vector.broadcast %add3A_52 : i32 to vector<16xi32>
      %add3A_54 = arith.addi %add3A_47, %add3A_53 : vector<16xi32>
      %gather3A_55 = tpu.vector_load_idx %arg4[%add3A_54] : memref<54400xf32, #tpu.memory_space<vmem>>[vector<16xi32>], vector<16xf32>,
      %add3A_56 = arith.constant 3 : i32
      %add3A_57 = vector.broadcast %add3A_56 : i32 to vector<16xi32>
      %add3A_58 = arith.addi %add3A_47, %add3A_57 : vector<16xi32>
      %gather3A_59 = tpu.vector_load_idx %arg4[%add3A_58] : memref<54400xf32, #tpu.memory_space<vmem>>[vector<16xi32>], vector<16xf32>,
      %add3A_60 = arith.constant 4 : i32
      %add3A_61 = vector.broadcast %add3A_60 : i32 to vector<16xi32>
      %add3A_62 = arith.addi %add3A_47, %add3A_61 : vector<16xi32>
      %gather3A_63 = tpu.vector_load_idx %arg4[%add3A_62] : memref<54400xf32, #tpu.memory_space<vmem>>[vector<16xi32>], vector<16xf32>,
      %add3A_64 = arith.addf %gather3A, %gather3A_51 : vector<16xf32>
      %add3A_65 = arith.addf %gather3A_55, %gather3A_59 : vector<16xf32>
      %add3A_66 = arith.addf %add3A_64, %add3A_65 : vector<16xf32>
      %add3A_67 = arith.addf %add3A_66, %gather3A_63 : vector<16xf32>
      %mul3A_68 = arith.constant 16 : i32
      %mul3A_69 = arith.muli %scan3A_42, %mul3A_68 : i32
      %add3A_70 = vector.broadcast %mul3A_69 : i32 to vector<16xi32>
      %add3A_71 = arith.addi %add3A_70, %iota3A : vector<16xi32>
      %lt3A = vector.broadcast %min3A : i32 to vector<16xi32>
      %lt3A_72 = arith.cmpi slt, %add3A_71, %lt3A : vector<16xi32>
      %lt3A_73 = arith.constant 0.000000e+00 : f32
      %lt3A_74 = vector.broadcast %lt3A_73 : f32 to vector<16xf32>
      %lt3A_75 = arith.cmpf olt, %gather3A_63, %lt3A_74 : vector<16xf32>
      %and3A_76 = arith.andi %lt3A_75, %lt3A_72 : vector<16xi1>
      %jit3A_77 = arith.constant 1 : i32
      %jit3A_78 = arith.constant 0 : i32
      %broadcast_in_dim3A_79 = vector.broadcast %jit3A_77 : i32 to vector<16xi32>
      %broadcast_in_dim3A_80 = vector.broadcast %jit3A_78 : i32 to vector<16xi32>
      %select_n3A_81 = arith.select %and3A_76, %broadcast_in_dim3A_79, %broadcast_in_dim3A_80 : vector<16xi1>, vector<16xi32>
      %broadcast_in_dim3A_82 = arith.constant true
      %broadcast_in_dim3A_83 = vector.broadcast %broadcast_in_dim3A_82 : i1 to vector<16xi1>
      %masked_cumsum3A = tpu.scan <sum>, %select_n3A_81 masked %broadcast_in_dim3A_83 : vector<16xi32>, vector<16xi1> -> vector<16xi32>
      %add3A_84 = arith.addi %masked_cumsum3A, %scan3A_44 : vector<16xi32>
      %eq3A_85 = arith.constant 0 : i32
      %eq3A_86 = vector.broadcast %eq3A_85 : i32 to vector<16xi32>
      %eq3A_87 = arith.cmpi eq, %add3A_84, %eq3A_86 : vector<16xi32>
      %and3A_88 = arith.andi %lt3A_72, %eq3A_87 : vector<16xi1>
      %jit3A_89 = arith.constant 1.000000e+00 : f32
      %jit3A_90 = arith.constant 0.000000e+00 : f32
      %broadcast_in_dim3A_91 = vector.broadcast %jit3A_89 : f32 to vector<16xf32>
      %broadcast_in_dim3A_92 = vector.broadcast %jit3A_90 : f32 to vector<16xf32>
      %select_n3A_93 = arith.select %and3A_88, %broadcast_in_dim3A_91, %broadcast_in_dim3A_92 : vector<16xi1>, vector<16xf32>
      %all_reduce_population_count3A = tpu.all_reduce %and3A_76 {dim = 0 : i64, kind = #tpu.reduction_kind<sum>} : vector<16xi1> -> vector<16xi32>
      %mul3A_94 = arith.mulf %add3A_67, %select_n3A_93 : vector<16xf32>
      %add3A_95 = arith.addf %scan3A_43, %mul3A_94 : vector<16xf32>
      %add3A_96 = arith.addi %scan3A_44, %all_reduce_population_count3A : vector<16xi32>
      scf.yield %add3A_95, %add3A_96 : vector<16xf32>, vector<16xi32>
    }
    %scan3A_15 = arith.constant 40 : i32
    %reduce_sum3A = arith.constant true
    %reduce_sum3A_16 = vector.broadcast %reduce_sum3A : i1 to vector<16xi1>
    %reduce_sum3A_17 = tpu.scan <sum>, %scan3A_14#0 masked %reduce_sum3A_16 : vector<16xf32>, vector<16xi1> -> vector<16xf32>
    %reduce_sum3A_18 = vector.extract %reduce_sum3A_17[15] : f32 from vector<16xf32>
    %eq3A = arith.constant 0 : i32
    %eq3A_19 = vector.broadcast %eq3A : i32 to vector<16xi32>
    %eq3A_20 = arith.cmpi eq, %scan3A_14#1, %eq3A_19 : vector<16xi32>
    %jit3A_21 = arith.constant 1.000000e+00 : f32
    %jit3A_22 = arith.constant 0.000000e+00 : f32
    %broadcast_in_dim3A_23 = vector.broadcast %jit3A_21 : f32 to vector<16xf32>
    %broadcast_in_dim3A_24 = vector.broadcast %jit3A_22 : f32 to vector<16xf32>
    %select_n3A = arith.select %eq3A_20, %broadcast_in_dim3A_23, %broadcast_in_dim3A_24 : vector<16xi1>, vector<16xf32>
    %broadcast_in_dim3A_25 = vector.broadcast %reduce_sum3A_18 : f32 to vector<16xf32>
    %eq3A_26 = arith.constant 0 : i32
    %eq3A_27 = vector.broadcast %eq3A_26 : i32 to vector<16xi32>
    %eq3A_28 = arith.cmpi eq, %iota3A, %eq3A_27 : vector<16xi32>
    %eq3A_29 = arith.constant 1 : i32
    %eq3A_30 = vector.broadcast %eq3A_29 : i32 to vector<16xi32>
    %eq3A_31 = arith.cmpi eq, %iota3A, %eq3A_30 : vector<16xi32>
    %select_n3A_32 = arith.select %eq3A_31, %select_n3A, %broadcast_in_dim3A_8 : vector<16xi1>, vector<16xf32>
    %select_n3A_33 = arith.select %eq3A_28, %broadcast_in_dim3A_25, %select_n3A_32 : vector<16xi1>, vector<16xf32>
    %swap3A = arith.constant 0 : index
    %swap3A_34 = tpu.vector_load %arg5[%swap3A] {strides = array<i32>} : memref<16xf32, #tpu.memory_space<vmem>>, vector<16xf32>,
    tpu.vector_store %arg5[%swap3A], %select_n3A_33 {strides = array<i32>} : memref<16xf32, #tpu.memory_space<vmem>>, vector<16xf32>,
    %mul3A_35 = arith.constant 16 : i32
    %mul3A_36 = arith.muli %arg1, %mul3A_35 : i32
    "tpu.region"() ({
      %run_scoped3A = tpu.sem_alloc : memref<!tpu.dma_semaphore, #tpu.memory_space<semaphore_mem>>
      %dma_start3A = tpu.memref_slice %arg7[%mul3A_36] : memref<256xf32, #tpu.memory_space<vmem_shared>> -> memref<16xf32, #tpu.memory_space<vmem_shared>>
      %dma_start3A_42 = tpu.memref_slice %arg7[%mul3A_36] : memref<256xf32, #tpu.memory_space<vmem_shared>> -> memref<16xf32, #tpu.memory_space<vmem_shared>>
      tpu.enqueue_dma source(%arg5 : memref<16xf32, #tpu.memory_space<vmem>>) target(%dma_start3A_42 : memref<16xf32, #tpu.memory_space<vmem_shared>>) target_semaphore(%run_scoped3A : memref<!tpu.dma_semaphore, #tpu.memory_space<semaphore_mem>>)
      %dma_wait3A = tpu.memref_slice %arg7[%mul3A_36] : memref<256xf32, #tpu.memory_space<vmem_shared>> -> memref<16xf32, #tpu.memory_space<vmem_shared>>
      %dma_wait3A_43 = tpu.memref_slice %arg7[%mul3A_36] : memref<256xf32, #tpu.memory_space<vmem_shared>> -> memref<16xf32, #tpu.memory_space<vmem_shared>>
      tpu.wait_dma2 semaphore(%run_scoped3A : memref<!tpu.dma_semaphore, #tpu.memory_space<semaphore_mem>>) src(%arg5 : memref<16xf32, #tpu.memory_space<vmem>>) dst(%dma_wait3A_43 : memref<16xf32, #tpu.memory_space<vmem_shared>>)
      tpu.yield
    }) : () -> ()
    %barrier3A = arith.constant 0 : index
    tpu.barrier barrier_id(%barrier3A)
    %eq3A_37 = arith.constant 0 : i32
    %eq3A_38 = arith.cmpi eq, %arg0, %eq3A_37 : i32
    %eq3A_39 = arith.constant 0 : i32
    %eq3A_40 = arith.cmpi eq, %arg1, %eq3A_39 : i32
    %and3A = arith.andi %eq3A_38, %eq3A_40 : i1
    %convert_element_type3A = arith.extui %and3A : i1 to i32
    %cond3A = arith.constant 0 : i32
    %cond3A_41 = arith.cmpi ne, %convert_element_type3A, %cond3A : i32
    scf.if %cond3A_41 {
      "tpu.region"() ({
        %run_scoped3A = tpu.sem_alloc : memref<!tpu.dma_semaphore, #tpu.memory_space<semaphore_mem>>
        tpu.enqueue_dma source(%arg7 : memref<256xf32, #tpu.memory_space<vmem_shared>>) target(%arg6 : memref<256xf32, #tpu.memory_space<vmem>>) target_semaphore(%run_scoped3A : memref<!tpu.dma_semaphore, #tpu.memory_space<semaphore_mem>>)
        tpu.wait_dma2 semaphore(%run_scoped3A : memref<!tpu.dma_semaphore, #tpu.memory_space<semaphore_mem>>) src(%arg7 : memref<256xf32, #tpu.memory_space<vmem_shared>>) dst(%arg6 : memref<256xf32, #tpu.memory_space<vmem>>)
        tpu.yield
      }) : () -> ()
      %mul3A_42 = arith.constant 16 : i32
      %mul3A_43 = vector.broadcast %mul3A_42 : i32 to vector<16xi32>
      %mul3A_44 = arith.muli %iota3A, %mul3A_43 : vector<16xi32>
      %gather3A = tpu.vector_load_idx %arg6[%mul3A_44] : memref<256xf32, #tpu.memory_space<vmem>>[vector<16xi32>], vector<16xf32>,
      %mul3A_45 = arith.constant 16 : i32
      %mul3A_46 = vector.broadcast %mul3A_45 : i32 to vector<16xi32>
      %mul3A_47 = arith.muli %iota3A, %mul3A_46 : vector<16xi32>
      %add3A = arith.constant 1 : i32
      %add3A_48 = vector.broadcast %add3A : i32 to vector<16xi32>
      %add3A_49 = arith.addi %mul3A_47, %add3A_48 : vector<16xi32>
      %gather3A_50 = tpu.vector_load_idx %arg6[%add3A_49] : memref<256xf32, #tpu.memory_space<vmem>>[vector<16xi32>], vector<16xf32>,
      %lt3A = arith.constant 5.000000e-01 : f32
      %lt3A_51 = vector.broadcast %lt3A : f32 to vector<16xf32>
      %lt3A_52 = arith.cmpf olt, %gather3A_50, %lt3A_51 : vector<16xf32>
      %jit3A_53 = arith.constant 1 : i32
      %jit3A_54 = arith.constant 0 : i32
      %broadcast_in_dim3A_55 = vector.broadcast %jit3A_53 : i32 to vector<16xi32>
      %broadcast_in_dim3A_56 = vector.broadcast %jit3A_54 : i32 to vector<16xi32>
      %select_n3A_57 = arith.select %lt3A_52, %broadcast_in_dim3A_55, %broadcast_in_dim3A_56 : vector<16xi1>, vector<16xi32>
      %broadcast_in_dim3A_58 = arith.constant true
      %broadcast_in_dim3A_59 = vector.broadcast %broadcast_in_dim3A_58 : i1 to vector<16xi1>
      %masked_cumsum3A = tpu.scan <sum>, %select_n3A_57 masked %broadcast_in_dim3A_59 : vector<16xi32>, vector<16xi1> -> vector<16xi32>
      %sub3A_60 = arith.subi %masked_cumsum3A, %select_n3A_57 : vector<16xi32>
      %eq3A_61 = arith.constant 0 : i32
      %eq3A_62 = vector.broadcast %eq3A_61 : i32 to vector<16xi32>
      %eq3A_63 = arith.cmpi eq, %sub3A_60, %eq3A_62 : vector<16xi32>
      %jit3A_64 = arith.constant 1.000000e+00 : f32
      %jit3A_65 = arith.constant 0.000000e+00 : f32
      %broadcast_in_dim3A_66 = vector.broadcast %jit3A_64 : f32 to vector<16xf32>
      %broadcast_in_dim3A_67 = vector.broadcast %jit3A_65 : f32 to vector<16xf32>
      %select_n3A_68 = arith.select %eq3A_63, %broadcast_in_dim3A_66, %broadcast_in_dim3A_67 : vector<16xi1>, vector<16xf32>
      %mul3A_69 = arith.mulf %gather3A, %select_n3A_68 : vector<16xf32>
      %reduce_sum3A_70 = arith.constant true
      %reduce_sum3A_71 = vector.broadcast %reduce_sum3A_70 : i1 to vector<16xi1>
      %reduce_sum3A_72 = tpu.scan <sum>, %mul3A_69 masked %reduce_sum3A_71 : vector<16xf32>, vector<16xi1> -> vector<16xf32>
      %reduce_sum3A_73 = vector.extract %reduce_sum3A_72[15] : f32 from vector<16xf32>
      %broadcast_in_dim3A_74 = vector.broadcast %reduce_sum3A_73 : f32 to vector<16xf32>
      %swap3A_75 = arith.constant 0 : index
      %swap3A_76 = tpu.vector_load %arg5[%swap3A_75] {strides = array<i32>} : memref<16xf32, #tpu.memory_space<vmem>>, vector<16xf32>,
      tpu.vector_store %arg5[%swap3A_75], %broadcast_in_dim3A_74 {strides = array<i32>} : memref<16xf32, #tpu.memory_space<vmem>>, vector<16xf32>,
      "tpu.region"() ({
        %run_scoped3A = tpu.sem_alloc : memref<!tpu.dma_semaphore, #tpu.memory_space<semaphore_mem>>
        tpu.enqueue_dma source(%arg5 : memref<16xf32, #tpu.memory_space<vmem>>) target(%arg3 : memref<16xf32, #tpu.memory_space<hbm>>) target_semaphore(%run_scoped3A : memref<!tpu.dma_semaphore, #tpu.memory_space<semaphore_mem>>)
        tpu.wait_dma2 semaphore(%run_scoped3A : memref<!tpu.dma_semaphore, #tpu.memory_space<semaphore_mem>>) src(%arg5 : memref<16xf32, #tpu.memory_space<vmem>>) dst(%arg3 : memref<16xf32, #tpu.memory_space<hbm>>)
        tpu.yield
      }) : () -> ()
    } else {
    }
    return
  }
}

</mosaic_0001>

<sc_bundles>
// kernel: kernel.3.cloned.1.call-start
scs
__scs_entry_jumppad:
0x0: {  	(pc) =	sbr.rel $0x88, $3  }
0x1: {  	(tag) =	ssettag $0x0;
	lr =	simm.s32 $0x1  }
0x2: {  	[smem:$0x3FA0] =	sst lr;
	_ =	strace $0xD0000000  }
0x3: {  	_ = 	snop  }
0x4: {  	_ = 	snop  }
0x5: {  	_ = 	snop  }
0x6: {  	_ = 	snop  }
0x7: {  	_ = 	snop  }
__scs_overlays_trampoline_lowered:
0x8: {  	[smem:$0x3FAF] =	sst s0  }
0x9: {  	[smem:$0x3FB0] =	sst s1  }
0xa: {  	[smem:$0x3FB1] =	sst s2  }
0xb: {  	[smem:$0x3FB2] =	sst s3  }
0xc: {  	[smem:$0x3FB3] =	sst s4  }
0xd: {  	[smem:$0x3FB4] =	sst s5  }
0xe: {  	[smem:$0x3FB5] =	sst s6  }
0xf: {  	[smem:$0x3FB6] =	sst s7  }
0x10: {  	[smem:$0x3FB7] =	sst s8  }
0x11: {  	[smem:$0x3FB8] =	sst s9;
	s0 =	simm.s32 @!p0 $0x0  }
0x12: {  	s1 =	sld [smem:$0x3F9E];
	s0 =	simm.s32 @p0 $0x1  }
0x13: {  	[smem:$0x3FB9] =	sst s0;
	s0 =	simm.s32 @!p1 $0x0  }
0x14: {  	s2 =	sld [smem:$0x3F9D];
	s0 =	simm.s32 @p1 $0x1  }
0x15: {  	[smem:$0x3FBA] =	sst s0;
	s0 =	simm.s32 @!p2 $0x0  }
0x16: {  	s3 =	sld [smem:$0x3FDB];
	s0 =	simm.s32 @p2 $0x1  }
0x17: {  	s4 =	simm.s32 $0x1BF5;
	[smem:$0x3FBC] =	sst s0  }
0x18: {  	s0 =	sld [smem:$0x3F9F];
	_ =	swait.ge [sflag:s4], $0x0  }
0x19: {  	s7 =	sld [smem:$0x3FA0]  }
0x1a: {  	s8 =	sadd.s32 $0xFFFFE003, lr  }
0x1b: {  	s9 =	sadd.s32 $0xFFFFFEF7, lr;
	s5 =	simm.s32 $0xFFFFFFFF;
	p2 =	slt.u32 s8, $0xFFFFF086  }
0x1c: {  	p1 =	slt.u32 s9, $0xF7A;
	s5 =	simm.s32 @!p2 $0x0  }
0x1d: {  	s5 =	simm.s32 @p1 $0x1;
	p0 =	seq.s32 s7, s2  }
0x1e: {  	s7 =	smul.u32 @!p0 $0xF7A, s2;
	p2 =	seq.s32 @!p0 s5, $0x0  }
0x1f: {  	s9 =	smul.u32 $0xF7A, s1;
	s8 =	simm.s32 @!p0 $0x1BF5;
	p2 =	por !p2, p0  }
0x20: {  	[sflag:s8] =	ssyncset.s32 @!p0 $0xFFFFF086;
	s6 =	sadd.s32 @!p0 s3, s7;
	s7 =	simm.s32 @!p0 $0x108  }
0x21: {  	s3 =	sadd.s32 s3, s9;
	s6 =	sadd.s32 @!p0 $0x88, s6;
	s7 =	simm.s32 @p2 $0x1082  }
0x22: {  	[simem:s7], [sflag:s8] =	dma.local @!p0 [hbm:s6], $0xF7A  }
0x23: {  	s9 =	sor.u32 $0xD0000000, s2;
	s6 =	simm.s32 $0x108;
	_ =	swait.ge @!p0 [sflag:s8], $0x0  }
0x24: {  	s3 =	sadd.s32 $0x88, s3;
	s6 =	simm.s32 @!p1 $0x1082;
	[sflag:s4] =	ssyncset.s32 $0xFFFFF086  }
0x25: {  	[simem:s6], [sflag:s4] =	dma.local [hbm:s3], $0xF7A  }
0x26: {  	[smem:$0x3FA0] =	sst s1;
	(tag) =	ssettag s2;
	_ =	strace s9  }
0x27: {  	s1 =	sld [smem:$0x3FB0]  }
0x28: {  	s2 =	sld [smem:$0x3FB1]  }
0x29: {  	s4 =	sld [smem:$0x3FB3]  }
0x2a: {  	p0 =	seq.s32 s5, $0x0;
	s5 =	sld [smem:$0x3FB4]  }
0x2b: {  	s6 =	sld [smem:$0x3FB5]  }
0x2c: {  	s7 =	sld [smem:$0x3FB6]  }
0x2d: {  	s3 =	simm.s32 $0x108;
	s8 =	sld [smem:$0x3FB7]  }
0x2e: {  	s3 =	simm.s32 @!p0 $0x1082;
	s9 =	sld [smem:$0x3FB8]  }
0x2f: {  	lr =	sadd.s32 s0, s3;
	s0 =	sld [smem:$0x3FAF]  }
0x30: {  	s3 =	sld [smem:$0x3FB2]  }
0x31: {  	[smem:$0x3FBB] =	sst s10  }
0x32: {  	s10 =	sld [smem:$0x3FB9];
	_ =	sdelay $0x3  }
0x33: {  	p0 =	seq.s32 s10, $0x1;
	s10 =	sld [smem:$0x3FBB];
	_ =	sdelay $0x3  }
0x34: {  	[smem:$0x3FBB] =	sst s10  }
0x35: {  	s10 =	sld [smem:$0x3FBA];
	_ =	sdelay $0x3  }
0x36: {  	p1 =	seq.s32 s10, $0x1;
	s10 =	sld [smem:$0x3FBB];
	_ =	sdelay $0x3  }
0x37: {  	[smem:$0x3FBB] =	sst s10  }
0x38: {  	s10 =	sld [smem:$0x3FBC]  }
0x39: {  	_ = 	snop;
	(pc) =	sbr.ind lr, $3  }
0x3a: {  	_ = 	snop  }
0x3b: {  	_ = 	snop  }
0x3c: {  	p2 =	seq.s32 s10, $0x1;
	s10 =	sld [smem:$0x3FBB]  }
0x3d: {  	_ =	shalt  }
0x3e: {  	_ =	shalt  }
0x3f: {  	_ =	shalt  }
0x40: {  	_ =	shalt  }
0x41: {  	_ =	shalt  }
0x42: {  	_ =	shalt  }
0x43: {  	_ =	shalt  }
0x44: {  	_ =	shalt  }
0x45: {  	_ =	shalt  }
0x46: {  	_ =	shalt  }
0x47: {  	_ =	shalt  }
0x48: {  	_ =	shalt  }
0x49: {  	_ =	shalt  }
0x4a: {  	_ =	shalt  }
0x4b: {  	_ =	shalt  }
0x4c: {  	_ =	shalt  }
0x4d: {  	_ =	shalt  }
0x4e: {  	_ =	shalt  }
0x4f: {  	_ =	shalt  }
0x50: {  	_ =	shalt  }
0x51: {  	_ =	shalt  }
0x52: {  	_ =	shalt  }
0x53: {  	_ =	shalt  }
0x54: {  	_ =	shalt  }
0x55: {  	_ =	shalt  }
0x56: {  	_ =	shalt  }
0x57: {  	_ =	shalt  }
0x58: {  	_ =	shalt  }
0x59: {  	_ =	shalt  }
0x5a: {  	_ =	shalt  }
0x5b: {  	_ =	shalt  }
0x5c: {  	_ =	shalt  }
0x5d: {  	_ =	shalt  }
0x5e: {  	_ =	shalt  }
0x5f: {  	_ =	shalt  }
0x60: {  	_ =	shalt  }
0x61: {  	_ =	shalt  }
0x62: {  	_ =	shalt  }
0x63: {  	_ =	shalt  }
0x64: {  	_ =	shalt  }
0x65: {  	_ =	shalt  }
0x66: {  	_ =	shalt  }
0x67: {  	_ =	shalt  }
0x68: {  	_ =	shalt  }
0x69: {  	_ =	shalt  }
0x6a: {  	_ =	shalt  }
0x6b: {  	_ =	shalt  }
0x6c: {  	_ =	shalt  }
0x6d: {  	_ =	shalt  }
0x6e: {  	_ =	shalt  }
0x6f: {  	_ =	shalt  }
0x70: {  	_ =	shalt  }
0x71: {  	_ =	shalt  }
0x72: {  	_ =	shalt  }
0x73: {  	_ =	shalt  }
0x74: {  	_ =	shalt  }
0x75: {  	_ =	shalt  }
0x76: {  	_ =	shalt  }
0x77: {  	_ =	shalt  }
0x78: {  	_ =	shalt  }
0x79: {  	_ =	shalt  }
0x7a: {  	_ =	shalt  }
0x7b: {  	_ =	shalt  }
0x7c: {  	_ =	shalt  }
0x7d: {  	_ =	shalt  }
0x7e: {  	_ =	shalt  }
0x7f: {  	_ =	shalt  }
0x80: {  	_ =	shalt  }
0x81: {  	_ =	shalt  }
0x82: {  	_ =	shalt  }
0x83: {  	_ =	shalt  }
0x84: {  	_ =	shalt  }
0x85: {  	_ =	shalt  }
0x86: {  	_ =	shalt  }
0x87: {  	_ =	shalt  }
.Lfunc_end0:
.L_simem_size_0:
called_computation_lowered:
.L_overlay_start_0:
0x88: {  	s2 =	sld [smem:$0x3FD9]  }
0x89: {  	s3 =	sld [smem:$0x3FFE];
	_ =	sdelay $0x1  }
0x8a: {  	s1 =	srdreg.scid  }
0x8b: {  	s0 =	sand.u32 $0x1, s1  }
0x8c: {  	s17 =	sshll.u32 s0, $0xA;
	s2 =	sadd.s32 s3, s2  }
0x8d: {  	s2 =	sadd.s32 s2, s17  }
0x8e: {  	[smem:$0x3FC7] =	sst s2  }
0x8f: {  	_ = 	snop  }
0x90: {  	s2 =	sld [smem:$0x3FD0];
	(tm) =	ssettm $0x1  }
0x91: {  	s18 =	sld [smem:$0x3FFB];
	_ =	sdelay $0x3  }
0x92: {  	_ =	strace s18  }
0x93: {  	s3 =	sld [smem:$0x3FFC];
	_ =	sdelay $0x3  }
0x94: {  	_ =	strace s3  }
0x95: {  	s3 =	sld [smem:$0x3FFD];
	_ =	sdelay $0x3  }
0x96: {  	_ =	strace s3  }
0x97: {  	_ =	strace $0x8FFFFFFF  }
0x98: {  	s19 =	sld [smem:$0x3FDB];
	_ =	sdelay $0x1  }
0x99: {  	s4 =	simm.s32 $_scs_section_size  }
0x9a: {  	s5 =	simm.s32 $_size__tile_overlayer_lowered;
	s6 =	simm.s32 $_tile_overlayer_lowered  }
0x9b: {  	s22 =	simm.s32 $0x1BFF;
	s21 =	sshll.u32 s6, $0x1;
	s3 =	sadd.s32 s4, s19  }
0x9c: {  	s7 =	simm.s32 $0x0;
	s20 =	sshll.u32 s5, $0x1;
	s5 =	sadd.s32 s21, s3  }
0x9d: {  	[timem:s7], [sflag:s22] =	dma.local [hbm:s5], s20  }
0x9e: {  	_ =	swait.ge [sflag:s22], s20  }
0x9f: {  	s4 =	ssub.s32 $0x0, s20;
	[sflag:s22] =	ssyncset.done $0x0  }
0xa0: {  	[sflag:s22] =	ssyncadd.s32 s4;
	_ =	sdelay $0x1  }
0xa1: {  	s23 =	simm.s32 $0x1B8B  }
0xa2: {  	_ =	swait.ge [sflag:s23], $0x1  }
0xa3: {  	[sflag:s23] =	ssyncset.done $0x0  }
0xa4: {  	s25 =	simm.s32 $0x1B8E;
	s24 =	sld [smem:$0x3FFE];
	[sflag:s23] =	ssyncadd.s32 $0xFFFFFFFF  }
0xa5: {  	s26 =	simm.s32 $execute0_lowered;
	[smem:$0x3FD2] =	sst s25  }
0xa6: {  	s5 =	sshll.u32 s26, $0x1;
	_ =	strace $0x80000046;
	[dreg:$0x1] =	wrdreg $0xFFFFFFFF  }
0xa7: {  	s28 =	simm.s32 $_size_execute0_lowered;
	s3 =	sadd.s32 s3, s5;
	[dreg:$0x0] =	wrdreg $0x0  }
0xa8: {  	s5 =	sshll.u32 s28, $0x1;
	[dreg:$0x2] =	wrdreg s3  }
0xa9: {  	[dreg:$0x3] =	wrdreg s5  }
0xaa: {  	[dreg:$0x4] =	wrdreg $0xC0  }
0xab: {  	_ =	task [dreg:s7], $0x5FFFF  }
0xac: {  	[dreg:$0x1] =	wrdreg $0xFFFFFFFF  }
0xad: {  	[dreg:$0x0] =	wrdreg $0x60  }
0xae: {  	[dreg:$0x2] =	wrdreg s24  }
0xaf: {  	[dreg:$0x3] =	wrdreg s2  }
0xb0: {  	[dreg:$0x4] =	wrdreg $0xD6000  }
0xb1: {  	[dreg:$0x5] =	wrdreg $0x9  }
0xb2: {  	_ =	task.clear_ibuf [dreg:s7], $0x6FFFF;
	_ =	strace $0x90000046  }
0xb3: {  	s29 =	simm.s32 $0x9;
	_ =	strace $0x80000048  }
0xb4: {  	_ =	swait.ge [sflag:s29], $0x1  }
0xb5: {  	[sflag:s29] =	ssyncadd.s32 $0xFFFFFFFF  }
0xb6: {  	_ =	strace $0x90000048  }
0xb7: {  	_ =	sfence  }
0xb8: {  	s30 =	sld [smem:$0x0];
	_ =	sdelay $0x2  }
0xb9: {  	s31 =	sshll.u32 s1, $0xD;
	s1 =	sshrl.u32 s1, $0x2  }
0xba: {  	s3 =	sand.u32 $0x4000, s31;
	s1 =	sadd.s32 s1, s30  }
0xbb: {  	s0 =	sor.u32 s3, s0;
	s1 =	sshll.u32 s1, $0x11  }
0xbc: {  	s0 =	sor.u32 s1, s0  }
0xbd: {  	s0 =	sadd.s32 $0x8F2B, s0  }
0xbe: {  	[sflag:s0] =	ssyncadd.remote.s32 $0x1  }
0xbf: {  	_ =	sfence.sel $0xFFFF  }
0xc0: {  	[dreg:$0x0] =	wrdreg $0xFFFFFFFF;
	(pc) =	sbr.abs _section_cstart, $3  }
0xc1: {  	[dreg:$0x1] =	wrdreg $0xFFFFFFFF  }
0xc2: {  	_ =	task.clear_ibuf [dreg:s7], $0x2FFFF;
	_ =	strace $0x9FFFFFFF  }
0xc3: {  	(tm) =	ssettm $0x7FFFFFFF  }
tec
execute0_lowered:
.L_overlay_start_1:
0x0: {  	(tag) =	ssettag $0x1  }
0x1: {  	s5 =	rddreg [dreg:$0x0]  }
0x2: {  	s2 =	rddreg [dreg:$0x1]  }
0x3: {  	s3 =	rddreg [dreg:$0x2]  }
0x4: {  	s0 =	rddreg [dreg:$0x3];
	s1 =	stileid.u32  }
0x5: {  	s4 =	simm.s32 $0x0;
	s8 =	srdreg.scid;
	s6 =	smul.u32 $0xFFFFFD80, s1  }
0x6: {  	[smem:$0x7FF] =	sst s4;
	s7 =	smul.u32 $0x1A90, s1  }
0x7: {  	s8 =	sand.u32 $0x1, s8;
	s10 =	sshll.u32 s1, $0x4;
	_ =	strace $0x80000047  }
0x8: {  	v0 =	vlaneseq.u32;
	s30 =	ssub.s32 $0x2, s8;
	s31 =	sor.u32 s1, s8;
	s8 =	simm.s32 $0x1  }
0x9: {  	v1 =	vmul.u32 $0x55, v0;
	p0 =	slt.s32 s6, $0xFFFFDB70;
	s5 =	sadd.s32 s7, s5;
	s9 =	sshrl.u32 s30, $0x1  }
0xa: {  	v7 =	vimm.f32 $0.0e+00;
	v8 =	vimm.s32 $0x0;
	vm0 =	vcmask $0x3F08;
	s6 =	simm.s32 @!p0 $0xFFFFDB70;
	s7 =	ssub.s32 s30, s9;
	s5 =	sadd.s32 $0x400, s5  }
0xb: {  	vm1 =	vcmask $0x3F04;
	v3 =	vadd.s32 $0x1, v1;
	v4 =	vadd.s32 $0x2, v1;
	p0 =	sne.s32 s31, $0x0;
	s9 =	simm.s32 $0xD480;
	s6 =	sadd.s32 $0x2710, s6  }
0xc: {  	v5 =	vadd.s32 $0x3, v1;
	v6 =	vadd.s32 $0x4, v1;
	s7 =	smax.u32 s7, $0x1;
	v2 =	vmov s6;
	s6 =	sadd.s32 s10, s3;
	s10 =	simm.s32 $0x0  }
.LBB2_1:
0xd: {  	v9 =	vadd.s32 s4, v6  }
0xe: {  	[tilespmem:s4], [sflag:$0x1] =	stream.linear.gather [hbm4b:s5+s4], $0xD480, $0x38;
	[tilespmem:$0xD610] =	vst v63  }
0xf: {  	_ =	swait.ge [sflag:s8], $0xD480  }
0x10: {  	v10 =	vadd.s32 s4, v1;
	[sflag:s8] =	ssyncset.done $0x0  }
0x11: {  	v11 =	vadd.s32 s4, v3;
	[sflag:s8] =	ssyncadd.s32 $0xFFFF2B80  }
0x12: {  	v12 =	vadd.s32 s4, v5;
	v16 =	vld.idx.msk [tilespmem:v9+s4+$0x0], $0xffff  }
0x13: {  	s11 =	simm.s32 $0x550;
	v9 =	vadd.s32 s4, v4  }
0x14: {  	v13 =	vadd.s32 s11, v6  }
0x15: {  	v10 =	vld.idx.msk [tilespmem:v10+s4+$0x0], $0xffff  }
0x16: {  	v14 =	vor.u32 s4, v0;
	v11 =	vld.idx.msk [tilespmem:v11+s4+$0x0], $0xffff  }
0x17: {  	vm2 =	vlt.s32 v14, v2;
	v12 =	vld.idx.msk [tilespmem:v12+s4+$0x0], $0xffff;
	vm3 =	vlt.f32 v16, $0.0e+00  }
0x18: {  	v15 =	vld.idx.msk [tilespmem:v9+s4+$0x0], $0xffff;
	vm3 =	vmand vm2, vm3  }
0x19: {  	v9 =	vld.idx.msk [tilespmem:v13+s4+$0x0], $0xffff;
	v13 =	vsel vm3, $0x1, v8  }
0x1a: {  	v14 =	vadd.s32 s11, v3;
	(xrf0) =	vadd.scan.msk.s32 $0xffff, v13  }
0x1b: {  	s13 =	simm.s32 $0xAA0;
	v13 =	vadd.s32 s11, v1  }
0x1c: {  	v17 =	vadd.s32 s11, v4;
	v20 =	vadd.s32 s11, v5;
	v21 =	vadd.s32 s13, v6  }
0x1d: {  	s12 =	simm.s32 $0xFF0;
	v19 =	vadd.s32 s13, v3;
	v10 =	vadd.f32 v11, v10;
	s11 =	simm.s32 $0x10;
	v15 =	vadd.f32 v12, v15  }
0x1e: {  	v22 =	vadd.s32 s12, v6;
	vm5 =	vmmov vm2;
	v11 =	vor.u32 s11, v0  }
0x1f: {  	vm6 =	vlt.s32 v11, v2;
	vm2 =	vlt.f32 v9, $0.0e+00;
	v10 =	vadd.f32 v15, v10;
	v15 =	vld.idx.msk [tilespmem:v14+s4+$0x0], $0xffff  }
0x20: {  	vm4 =	vmmov vm3;
	v11 =	vsub.s32 $0x0, v8;
	vm2 =	vmand vm6, vm2;
	v13 =	vld.idx.msk [tilespmem:v13+s4+$0x0], $0xffff;
	v18, _, _ =	vpop (xrf0)  }
0x21: {  	v12 =	vadd.s32 s13, v1;
	v23 =	vsel vm2, $0x1, v8;
	v14 =	vld.idx.msk [tilespmem:v17+s4+$0x0], $0xffff;
	vm3 =	veq.s32 v18, v11  }
0x22: {  	v17 =	vld.idx.msk [tilespmem:v20+s4+$0x0], $0xffff;
	v18 =	vadd.s32 s13, v4;
	v11 =	vadd.f32 v10, v16;
	vm3 =	vmand vm5, vm3  }
0x23: {  	(xrf0) =	vadd.scan.msk.s32 $0xffff, v23;
	v16 =	vadd.s32 s13, v5;
	v10 =	vld.idx.msk [tilespmem:v21+s4+$0x0], $0xffff;
	v20 =	vsel vm3, $0x3F800000, v7;
	vm3 =	vmmov vm6  }
0x24: {  	s13 =	simm.s32 $0x1540;
	v21 =	vmul.f32 v20, v11;
	v11 =	vimm.f32 $0.0e+00;
	v20 =	vimm.s32 $0x0  }
.LBB2_2:
0x25: {  	v26 =	vadd.f32 v15, v13  }
0x26: {  	p1 =	sne.s32 s13, $0xCF30;
	v13 =	vld.idx.msk [tilespmem:v12+s4+$0x0], $0xffff;
	v12 =	vadd.s32 s12, v1;
	s11 =	sadd.s32 $0x10, s11;
	v24 =	vmpcnt.ones.xlane vm4;
	vm4 =	vmmov vm2  }
0x27: {  	v25 =	vadd.f32 v17, v14;
	v15 =	vld.idx.msk [tilespmem:v19+s4+$0x0], $0xffff;
	v19 =	vor.u32 s11, v0;
	v11 =	vadd.f32 v21, v11  }
0x28: {  	vm2 =	vlt.f32 v10, $0.0e+00;
	v21 =	vmovc v10;
	v14 =	vld.idx.msk [tilespmem:v18+s4+$0x0], $0xffff;
	vm5 =	vlt.s32 v19, v2;
	v20 =	vadd.s32 v20, v24  }
.Ltmp0:
0x29: {  	v17 =	vld.idx.msk [tilespmem:v16+s4+$0x0], $0xffff;
	vm2 =	vmand vm5, vm2;
	v16 =	vadd.f32 v25, v26;
	v18 =	vsub.s32 $0x0, v20;
	v23, _, _ =	vpop (xrf0);
	(pc) =	sbr.rel @p1 .LBB2_2-.Ltmp0, $4  }
0x2a: {  	v19 =	vadd.s32 s12, v3;
	v10 =	vld.idx.msk [tilespmem:v22+s4+$0x0], $0xffff;
	v22 =	vsel vm2, $0x1, v8;
	vm6 =	veq.s32 v23, v18  }
0x2b: {  	v18 =	vadd.s32 s12, v4;
	(xrf0) =	vadd.scan.msk.s32 $0xffff, v22;
	v23 =	vadd.f32 v16, v9;
	vm3 =	vmand vm3, vm6;
	v9 =	vmovc v21  }
0x2c: {  	v16 =	vadd.s32 s12, v5;
	s12 =	smov.u32 s13;
	v21 =	vsel vm3, $0x3F800000, v7;
	vm3 =	vmmov vm5  }
0x2d: {  	s13 =	sadd.s32 $0x550, s13;
	v22 =	vadd.s32 s12, v6;
	v21 =	vmul.f32 v21, v23  }
0x2e: {  	_ =	sdelay $0x3  }
0x2f: {  	v23 =	vadd.s32 s12, v1;
	v12 =	vld.idx.msk [tilespmem:v12+s4+$0x0], $0xffff  }
0x30: {  	v24 =	vmpcnt.ones.xlane vm4;
	v13 =	vadd.f32 v15, v13;
	v45 =	vadd.s32 s12, v3;
	v22 =	vld.idx.msk [tilespmem:v22+s4+$0x0], $0xffff  }
0x31: {  	s11 =	sadd.s32 $0x10, s11;
	v19 =	vld.idx.msk [tilespmem:v19+s4+$0x0], $0xffff;
	v46 =	vadd.s32 s12, v4;
	v14 =	vadd.f32 v17, v14;
	v27 =	vadd.s32 s12, v5  }
0x32: {  	v47 =	vld.idx.msk [tilespmem:v18+s4+$0x0], $0xffff;
	v25 =	vor.u32 s11, v0;
	vm11 =	vlt.f32 v10, $0.0e+00;
	s11 =	sadd.s32 $0x10, s11;
	v20 =	vadd.s32 v20, v24  }
0x33: {  	v16 =	vld.idx.msk [tilespmem:v16+s4+$0x0], $0xffff;
	vm6 =	vlt.s32 v25, v2;
	v13 =	vadd.f32 v14, v13;
	v50 =	vor.u32 s11, v0  }
0x34: {  	v48 =	vsub.s32 $0x0, v20;
	v26, _, _ =	vpop (xrf0);
	vm7 =	vmand vm6, vm11;
	vm12 =	vlt.s32 v50, v2;
	v49 =	vld.idx.msk [tilespmem:v23+s4+$0x0], $0xffff  }
0x35: {  	vm5 =	veq.s32 v26, v48;
	v51 =	vsel vm7, $0x1, v8;
	v15 =	vld.idx.msk [tilespmem:v45+s4+$0x0], $0xffff;
	vm8 =	vlt.f32 v22, $0.0e+00  }
0x36: {  	vm2 =	vmmov vm2;
	vm5 =	vmand vm3, vm5;
	(xrf0) =	vadd.scan.msk.s32 $0xffff, v51;
	v52 =	vld.idx.msk [tilespmem:v46+s4+$0x0], $0xffff;
	vm3 =	vmand vm12, vm8  }
0x37: {  	v11 =	vadd.f32 v21, v11;
	v9 =	vadd.f32 v13, v9;
	v54 =	vld.idx.msk [tilespmem:v27+s4+$0x0], $0xffff;
	v55 =	vsel vm3, $0x1, v8  }
0x38: {  	v56 =	vmpcnt.ones.xlane vm2;
	vm13 =	vmmov vm7;
	v53 =	vsel vm5, $0x3F800000, v7;
	(xrf0) =	vadd.scan.msk.s32 $0xffff, v55  }
0x39: {  	v12 =	vadd.f32 v19, v12;
	v16 =	vadd.f32 v16, v47;
	v9 =	vmul.f32 v53, v9  }
0x3a: {  	vm2 =	vmmov vm6;
	v57 =	vmpcnt.ones.xlane vm13  }
0x3b: {  	v12 =	vadd.f32 v16, v12;
	v9 =	vadd.f32 v9, v11;
	v11 =	vadd.s32 v20, v56  }
0x3c: {  	v18 =	vsub.s32 $0x0, v11;
	v14 =	vadd.f32 v15, v49;
	v13 =	vadd.f32 v54, v52;
	v58, _, _ =	vpop (xrf0)  }
0x3d: {  	v10 =	vadd.f32 v12, v10;
	v11 =	vadd.s32 v11, v57;
	vm14 =	veq.s32 v58, v18  }
0x3e: {  	v60 =	vsub.s32 $0x0, v11;
	v59 =	vadd.f32 v13, v14;
	vm2 =	vmand vm2, vm14;
	v61, _, _ =	vpop (xrf0)  }
0x3f: {  	v62 =	vsel vm2, $0x3F800000, v7;
	vm2 =	vmmov vm12;
	vm15 =	veq.s32 v61, v60  }
0x40: {  	v12 =	vadd.f32 v59, v22;
	v10 =	vmul.f32 v62, v10;
	vm2 =	vmand vm2, vm15  }
0x41: {  	v63 =	vsel vm2, $0x3F800000, v7  }
0x42: {  	v9 =	vadd.f32 v10, v9;
	v10 =	vmul.f32 v63, v12;
	_ =	sdelay $0x1  }
0x43: {  	v9 =	vadd.f32 v10, v9;
	_ =	sdelay $0x1  }
0x44: {  	(xrf2) =	vadd.scan.msk.f32 $0xffff, v9;
	_ =	sdelay $0x5  }
0x45: {  	vm2 =	vmmov vm3  }
0x46: {  	v9 =	vmpcnt.ones.xlane vm2;
	_ =	sdelay $0x1  }
0x47: {  	v9 =	vadd.s32 v11, v9  }
0x48: {  	vm2 =	veq.s32 v9, $0x0;
	v10, _, _ =	vpop (xrf2)  }
0x49: {  	v9 =	vsel vm2, $0x3F800000, v7;
	v10 =	vbroadcast v10, $0xF  }
0x4a: {  	v9 =	vsel vm0, $0x0, v9  }
0x4b: {  	v9 =	vsel vm1, v9, v10  }
0x4c: {  	[tilespmem:$0xD480] =	vst v9  }
0x4d: {  	[spmem:s6] =	stream.linear.scatter [tilespmem:s9], [sflag:$0x1], $0x10, $0x38;
	[tilespmem:$0xD610] =	vst v63  }
0x4e: {  	v9 =	vlaneseq.u32 @!p0;
	_ =	swait.ge [sflag:s8], $0x10  }
0x4f: {  	v9 =	vmul.u32 @!p0 $0x10, v9;
	[sflag:s8] =	ssyncset.done $0x0  }
0x50: {  	[sflag:s8] =	ssyncadd.s32 $0xFFFFFFF0  }
0x51: {  	s12 =	simm.s32 @!p0 $0x1;
	s11 =	simm.s32 @!p0 $0xD500;
	v10 =	vor.u32 @!p0 $0x1, v9;
	[bflag:$0x0] =	sbarrier.arrive $0xFFFF  }
0x52: {  	[tilespmem:s11], [sflag:$0x1] =	stream.linear.gather @!p0 [spmem:s3], $0x100, $0x38;
	[tilespmem:$0xD610] =	vst v63  }
0x53: {  	_ =	swait.ge @!p0 [sflag:s12], $0x100  }
0x54: {  	[sflag:s12] =	ssyncset.done @!p0 $0x0  }
0x55: {  	[sflag:s12] =	ssyncadd.s32 @!p0 $0xFFFFFF00  }
0x56: {  	v10 =	vld.idx.msk @!p0 [tilespmem:v10+s11+$0x0], $0xffff;
	_ =	sdelay $0x4  }
0x57: {  	vm2 =	vlt.f32 @!p0 v10, $5.000000000e-01;
	v10 =	vimm.s32 @!p0 $0x0  }
0x58: {  	v10 =	vsel @!p0 vm2, $0x1, v10  }
0x59: {  	(xrf0) =	vadd.scan.msk.s32 @!p0 $0xffff, v10;
	_ =	sdelay $0x3  }
0x5a: {  	v9 =	vld.idx.msk @!p0 [tilespmem:v9+s11+$0x0], $0xffff;
	_ =	sdelay $0x1  }
0x5b: {  	v11, _, _ =	vpop @!p0 (xrf0)  }
0x5c: {  	vm2 =	veq.s32 @!p0 v11, v10;
	v10 =	vimm.f32 @!p0 $0.0e+00  }
0x5d: {  	v10 =	vsel @!p0 vm2, $0x3F800000, v10  }
0x5e: {  	v9 =	vmul.f32 @!p0 v10, v9;
	_ =	sdelay $0x1  }
0x5f: {  	(xrf2) =	vadd.scan.msk.f32 @!p0 $0xffff, v9;
	_ =	sdelay $0x9  }
0x60: {  	v9, _, _ =	vpop @!p0 (xrf2)  }
0x61: {  	s10 =	sadd.s32 $0x1, s10;
	v9 =	vbroadcast @!p0 v9, $0xF  }
0x62: {  	p1 =	sne.s32 s10, s7  }
.Ltmp1:
0x63: {  	s13 =	simm.s32 @!p0 $0xD480;
	s11 =	simm.s32 @!p0 $0x0;
	[tilespmem:$0xD480] =	vst @!p0 v9;
	(pc) =	sbr.rel @p1 .LBB2_1-.Ltmp1, $4  }
0x64: {  	[hbm4b:s2+s11] =	stream.linear.scatter @!p0 [tilespmem:s13], [sflag:$0x1], $0x80, $0x38;
	[tilespmem:$0xD610] =	vst v63  }
0x65: {  	_ =	swait.ge @!p0 [sflag:s12], $0x80  }
0x66: {  	[sflag:s12] =	ssyncset.done @!p0 $0x0  }
0x67: {  	[sflag:s12] =	ssyncadd.s32 @!p0 $0xFFFFFF80  }
0x68: {  	_ =	sfence.sel $0x180000  }
0x69: {  	[bflag:$0x0] =	sbarrier.arrive $0xFFFF  }
0x6a: {  	p0 =	sne.s32 s1, $0x0;
	_ =	strace $0x90000047  }
0x6b: {  	s0 =	sadd.s32 @!p0 $0x100000, s0;
	[bflag:$0x2] =	sbarrier.arrive $0xFFFF  }
0x6c: {  	[sflag:s0] =	ssyncadd.tile.s32 @!p0 $0x1;
	_ =	shalt  }
.Lfunc_end2:
_tile_overlayer_lowered:
.L_overlay_start_2:
0x6d: {  	(tag) =	ssettag $0x2  }
0x6e: {  	s0 =	rddreg [dreg:$0x0];
	s2 =	stileid.u32  }
0x6f: {  	s1 =	rddreg [dreg:$0x1];
	p0 =	sne.s32 s2, $0x0  }
0x70: {  	s3 =	rddreg [dreg:$0x2];
	[bflag:$0x3] =	sbarrier.arrive $0xFFFF;
	s2 =	simm.s32 @!p0 $0x1C01  }
0x71: {  	[timem:s3], [sflag:s2] =	dma.local @!p0 [hbm:s0], s1  }
0x72: {  	s0 =	simm.s32 @!p0 $0x1  }
0x73: {  	_ =	swait.ge @!p0 [sflag:s0], s1  }
0x74: {  	s1 =	ssub.s32 @!p0 $0x0, s1;
	[sflag:s0] =	ssyncset.done @!p0 $0x0  }
0x75: {  	[sflag:s0] =	ssyncadd.s32 @!p0 s1  }
0x76: {  	[bflag:$0x3] =	sbarrier.arrive $0xFFFF  }
0x77: {  	_ =	shalt  }

</sc_bundles>
